<compile_context>
chip_gen: v7x
topology: tpu7x:2x2x1
jax: 0.10.2.dev20260603
libtpu: 0.0.44.dev20260713+nightly
codegen_flags: <defaults>
</compile_context>

<pallas_src>
import functools

import jax
import jax.numpy as jnp
from jax import lax
from jax.experimental import pallas as pl
from jax.experimental.pallas import tpu as pltpu
from jax.experimental.pallas import tpu_sc as plsc

N = 32768
G = 1024
K = 32
R, C = 256, 128
QB = 128



def _fps_body(x_ref, y_ref, z_ref, cidx_ref, cx_ref, cy_ref, cz_ref):
    x = x_ref[...]
    y = y_ref[...]
    z = z_ref[...]
    flat = (lax.broadcasted_iota(jnp.int32, (R, C), 0) * C
            + lax.broadcasted_iota(jnp.int32, (R, C), 1))
    gflat = (lax.broadcasted_iota(jnp.int32, (8, 128), 0) * 128
             + lax.broadcasted_iota(jnp.int32, (8, 128), 1))

    def extract(last):
        sel = flat == last
        lx = jnp.sum(jnp.where(sel, x, 0.0))
        ly = jnp.sum(jnp.where(sel, y, 0.0))
        lz = jnp.sum(jnp.where(sel, z, 0.0))
        return lx, ly, lz

    def step(i, carry):
        dists, last, acc_i, acc_x, acc_y, acc_z = carry
        lx, ly, lz = extract(last)
        prev_sel = gflat == (i - 1)
        acc_x = jnp.where(prev_sel, lx, acc_x)
        acc_y = jnp.where(prev_sel, ly, acc_y)
        acc_z = jnp.where(prev_sel, lz, acc_z)
        dx = x - lx
        dy = y - ly
        dz = z - lz
        d = dx * dx + dy * dy + dz * dz
        dists = jnp.minimum(dists, d)
        m = jnp.max(dists)
        nxt = jnp.min(jnp.where(dists == m, flat, N))
        acc_i = jnp.where(gflat == i, nxt, acc_i)
        return dists, nxt, acc_i, acc_x, acc_y, acc_z

    dists0 = jnp.full((R, C), jnp.inf, dtype=jnp.float32)
    zf = jnp.zeros((8, 128), jnp.float32)
    carry = (dists0, jnp.int32(0), jnp.zeros((8, 128), jnp.int32), zf, zf, zf)
    _, last, acc_i, acc_x, acc_y, acc_z = lax.fori_loop(1, G, step, carry)
    lx, ly, lz = extract(last)
    lsel = gflat == (G - 1)
    cidx_ref[...] = acc_i
    cx_ref[...] = jnp.where(lsel, lx, acc_x)
    cy_ref[...] = jnp.where(lsel, ly, acc_y)
    cz_ref[...] = jnp.where(lsel, lz, acc_z)


_fps_call = pl.pallas_call(
    _fps_body,
    out_shape=[
        jax.ShapeDtypeStruct((8, 128), jnp.int32),
        jax.ShapeDtypeStruct((8, 128), jnp.float32),
        jax.ShapeDtypeStruct((8, 128), jnp.float32),
        jax.ShapeDtypeStruct((8, 128), jnp.float32),
    ],
)



def _knn_body(qmat_ref, pmat_ref, idx_ref):
    qmat = qmat_ref[...]
    pmat = pmat_ref[...]
    qx = qmat[:, 0:1]
    qy = qmat[:, 1:2]
    qz = qmat[:, 2:3]
    px = pmat[0:1, :]
    py = pmat[1:2, :]
    pz = pmat[2:3, :]
    q2 = qx * qx + qy * qy + qz * qz
    p2 = px * px + py * py + pz * pz
    qp = lax.dot_general(qmat, pmat,
                         dimension_numbers=(((1,), (0,)), ((), ())))
    d = q2 - 2.0 * qp + p2
    niota = lax.broadcasted_iota(jnp.int32, (QB, N), 1)
    kio = lax.broadcasted_iota(jnp.int32, (QB, K), 1)

    def sel_step(k, carry):
        d_, acc = carry
        m = jnp.min(d_, axis=1, keepdims=True)
        idx = jnp.min(jnp.where(d_ == m, niota, N), axis=1, keepdims=True)
        acc = jnp.where(kio == k, idx, acc)
        d_ = jnp.where(niota == idx, jnp.float32(jnp.inf), d_)
        return d_, acc

    _, acc = lax.fori_loop(0, K, sel_step,
                           (d, jnp.zeros((QB, K), jnp.int32)))
    idx_ref[...] = acc


_knn_call = pl.pallas_call(
    _knn_body,
    grid=(G // QB,),
    in_specs=[
        pl.BlockSpec((QB, 8), lambda i: (i, 0)),
        pl.BlockSpec((8, N), lambda i: (0, 0)),
    ],
    out_specs=pl.BlockSpec((QB, K), lambda i: (i, 0)),
    out_shape=jax.ShapeDtypeStruct((G, K), jnp.int32),
)



_NC, _NS = 2, 16
_NW = _NC * _NS
_NROWS = G * K + G
_BPW = _NROWS // _NW
_DPAD = 16


def _gather_body(table_hbm, idx_hbm, out_hbm, idx_v, rows_v, sem):
    wid = lax.axis_index("s") * _NC + lax.axis_index("c")
    base = wid * _BPW
    pltpu.sync_copy(idx_hbm.at[pl.ds(base, _BPW)], idx_v)
    pltpu.async_copy(table_hbm.at[idx_v], rows_v, sem).wait()
    pltpu.sync_copy(rows_v, out_hbm.at[pl.ds(base, _BPW)])


@functools.cache
def _gather_call():
    return functools.partial(
        pl.kernel,
        mesh=plsc.VectorSubcoreMesh(core_axis_name="c", subcore_axis_name="s"),
        compiler_params=pltpu.CompilerParams(use_tc_tiling_on_sc=False),
        out_type=jax.ShapeDtypeStruct((_NROWS, _DPAD), jnp.float32),
        scratch_types=[
            pltpu.VMEM((_BPW,), jnp.int32),
            pltpu.VMEM((_BPW, _DPAD), jnp.float32),
            pltpu.SemaphoreType.DMA,
        ],
    )(_gather_body)



def kernel(exyz):
    e = exyz[0]
    x = e[:, 1].reshape(R, C)
    y = e[:, 2].reshape(R, C)
    z = e[:, 3].reshape(R, C)
    cidx8, cx8, cy8, cz8 = _fps_call(x, y, z)
    cidx = cidx8.reshape(G)
    qmat = jnp.concatenate(
        [cx8.reshape(G, 1), cy8.reshape(G, 1), cz8.reshape(G, 1),
         jnp.zeros((G, 5), jnp.float32)], axis=1)
    pmat = jnp.concatenate(
        [e[:, 1].reshape(1, N), e[:, 2].reshape(1, N), e[:, 3].reshape(1, N),
         jnp.zeros((5, N), jnp.float32)], axis=0)
    idx = _knn_call(qmat, pmat)
    table = jnp.pad(e, ((0, 0), (0, _DPAD - 4)))
    all_idx = jnp.concatenate([idx.reshape(-1), cidx])
    rows = _gather_call()(table, all_idx)
    neighborhood = rows[: G * K, :4].reshape(1, G, K, 4)
    centers_e = rows[G * K :, :4].reshape(1, G, 4)
    return neighborhood, centers_e

# --- scband reference (transcript-rebuilt; emitter-appended) ---
"""Pipeline reference for scband-group-77412490543267 (READ-ONLY COPY).

The authoritative reference and input builder live on the scoring server;
editing this copy changes nothing except your own understanding.
"""

import jax, jax.numpy as jnp
import numpy as np

NUM_GROUP = 1024
GROUP_SIZE = 32


def sample_farthest_points(xyz, K):
    # xyz: [B, N, 3] -> (centers [B, K, 3], idx [B, K])
    B, N, _ = xyz.shape
    idxs0 = jnp.zeros((B, K), dtype=jnp.int32)
    dists0 = jnp.full((B, N), jnp.inf, dtype=xyz.dtype)
    last0 = jnp.zeros((B,), dtype=jnp.int32)

    def body(i, state):
        idxs, dists, last = state
        last_pt = jax.vmap(lambda x, j: x[j])(xyz, last)  # [B, 3]
        d = jnp.sum((xyz - last_pt[:, None, :]) ** 2, axis=-1)  # [B, N]
        dists = jnp.minimum(dists, d)
        nxt = jnp.argmax(dists, axis=-1).astype(jnp.int32)
        idxs = idxs.at[:, i].set(nxt)
        return (idxs, dists, nxt)

    idxs, _, _ = jax.lax.fori_loop(1, K, body, (idxs0, dists0, last0))
    centers = jax.vmap(lambda x, i: x[i])(xyz, idxs)  # [B, K, 3]
    return centers, idxs


def knn_points_idx(query, points, K):
    # query: [B, G, 3], points: [B, N, 3] -> idx [B, G, K] of K nearest points
    q2 = jnp.sum(query ** 2, axis=-1, keepdims=True)          # [B, G, 1]
    p2 = jnp.sum(points ** 2, axis=-1)[:, None, :]            # [B, 1, N]
    qp = jnp.einsum('bgd,bnd->bgn', query, points)            # [B, G, N]
    d = q2 - 2.0 * qp + p2                                    # [B, G, N]
    _, idx = jax.lax.top_k(-d, K)                             # smallest dists
    return idx


def setup_inputs(seed: int = 0) -> dict:
    key = jax.random.key(seed)
    exyz = jax.random.normal(key, (1, 32768, 4), dtype=jnp.float32)
    return {"exyz": exyz}


def reference(exyz):
    xyz = exyz[..., 1:]
    B, N, _ = xyz.shape
    # indices are non-differentiable selections (matches torch semantics)
    xyz_sg = jax.lax.stop_gradient(xyz)
    center, cidx = sample_farthest_points(xyz_sg, NUM_GROUP)
    idx = knn_points_idx(center, xyz_sg, GROUP_SIZE)          # [B, G, M]
    idx_base = jnp.arange(B, dtype=idx.dtype)[:, None, None] * N
    idx = (idx + idx_base).reshape(-1)
    neighborhood = exyz.reshape(B * N, -1)[idx, :]
    neighborhood = neighborhood.reshape(B, NUM_GROUP, GROUP_SIZE, 4)
    centers_e = exyz[:, cidx[0]]                               # exyz[:, cidx.squeeze(0)]
    return neighborhood, centers_e

if __name__ == "__main__":
    import jax
    _d = setup_inputs()
    print(jax.jit(kernel)(*tuple(_d.values())))

</pallas_src>

<mosaic_0001>
#map = affine_map<(d0, d1) -> (0, 0)>
#map1 = affine_map<(d0, d1) -> (0)>
module attributes {stable_mosaic.version = 14 : i64} {
  func.func @_gather_body(%arg0: i32, %arg1: i32, %arg2: memref<32768x16xf32, #tpu.memory_space<hbm>>, %arg3: memref<33792xi32, #tpu.memory_space<hbm>>, %arg4: memref<33792x16xf32, #tpu.memory_space<hbm>>, %arg5: memref<1056xi32, #tpu.memory_space<vmem>>, %arg6: memref<1056x16xf32, #tpu.memory_space<vmem>>, %arg7: memref<!tpu.dma_semaphore, #tpu.memory_space<semaphore_mem>>) attributes {dimension_semantics = [#tpu.dimension_semantics<core_parallel>, #tpu.dimension_semantics<subcore_parallel>], iteration_bounds = array<i64: 2, 16>, scalar_prefetch = 0 : i64, scratch_operands = 3 : i64, tpu.core_type = #tpu.core_type<sc_vector_subcore>, window_params = [{transform_indices = #map}, {transform_indices = #map1}, {transform_indices = #map}]} {
    %mul3A = arith.constant 2 : i32
    %mul3A_0 = arith.muli %arg1, %mul3A : i32
    %add3A = arith.addi %mul3A_0, %arg0 : i32
    %mul3A_1 = arith.constant 1056 : i32
    %mul3A_2 = arith.muli %add3A, %mul3A_1 : i32
    "tpu.region"() ({
      %run_scoped3A = tpu.sem_alloc : memref<!tpu.dma_semaphore, #tpu.memory_space<semaphore_mem>>
      %dma_start3A_7 = tpu.memref_slice %arg3[%mul3A_2] : memref<33792xi32, #tpu.memory_space<hbm>> -> memref<1056xi32, #tpu.memory_space<hbm>>
      %dma_start3A_8 = tpu.memref_slice %arg3[%mul3A_2] : memref<33792xi32, #tpu.memory_space<hbm>> -> memref<1056xi32, #tpu.memory_space<hbm>>
      tpu.enqueue_dma source(%dma_start3A_8 : memref<1056xi32, #tpu.memory_space<hbm>>) target(%arg5 : memref<1056xi32, #tpu.memory_space<vmem>>) target_semaphore(%run_scoped3A : memref<!tpu.dma_semaphore, #tpu.memory_space<semaphore_mem>>)
      %dma_wait3A_9 = tpu.memref_slice %arg3[%mul3A_2] : memref<33792xi32, #tpu.memory_space<hbm>> -> memref<1056xi32, #tpu.memory_space<hbm>>
      %dma_wait3A_10 = tpu.memref_slice %arg3[%mul3A_2] : memref<33792xi32, #tpu.memory_space<hbm>> -> memref<1056xi32, #tpu.memory_space<hbm>>
      tpu.wait_dma2 semaphore(%run_scoped3A : memref<!tpu.dma_semaphore, #tpu.memory_space<semaphore_mem>>) src(%dma_wait3A_10 : memref<1056xi32, #tpu.memory_space<hbm>>) dst(%arg5 : memref<1056xi32, #tpu.memory_space<vmem>>)
      tpu.yield
    }) : () -> ()
    %dma_start3A = arith.constant 0 : i32
    %dma_start3A_3 = arith.constant 0 : i32
    %dma_start3A_4 = tpu.memref_slice %arg2[%dma_start3A, %dma_start3A_3] : memref<32768x16xf32, #tpu.memory_space<hbm>> -> memref<32768x16xf32, #tpu.memory_space<hbm>>
    tpu.enqueue_indirect_dma source(%dma_start3A_4 : memref<32768x16xf32, #tpu.memory_space<hbm>>) target(%arg6 : memref<1056x16xf32, #tpu.memory_space<vmem>>) offsets(%arg5 : memref<1056xi32, #tpu.memory_space<vmem>>) semaphore(%arg7 : memref<!tpu.dma_semaphore, #tpu.memory_space<semaphore_mem>>)
    %dma_wait3A = arith.constant 0 : i32
    %dma_wait3A_5 = arith.constant 0 : i32
    %dma_wait3A_6 = tpu.memref_slice %arg2[%dma_wait3A, %dma_wait3A_5] : memref<32768x16xf32, #tpu.memory_space<hbm>> -> memref<32768x16xf32, #tpu.memory_space<hbm>>
    tpu.wait_indirect_dma semaphore(%arg7 : memref<!tpu.dma_semaphore, #tpu.memory_space<semaphore_mem>>) src(%dma_wait3A_6 : memref<32768x16xf32, #tpu.memory_space<hbm>>) dst(%arg6 : memref<1056x16xf32, #tpu.memory_space<vmem>>)
    "tpu.region"() ({
      %run_scoped3A = tpu.sem_alloc : memref<!tpu.dma_semaphore, #tpu.memory_space<semaphore_mem>>
      %dma_start3A_7 = arith.constant 0 : i32
      %dma_start3A_8 = tpu.memref_slice %arg4[%mul3A_2, %dma_start3A_7] : memref<33792x16xf32, #tpu.memory_space<hbm>> -> memref<1056x16xf32, #tpu.memory_space<hbm>>
      %dma_start3A_9 = arith.constant 0 : i32
      %dma_start3A_10 = tpu.memref_slice %arg4[%mul3A_2, %dma_start3A_9] : memref<33792x16xf32, #tpu.memory_space<hbm>> -> memref<1056x16xf32, #tpu.memory_space<hbm>>
      tpu.enqueue_dma source(%arg6 : memref<1056x16xf32, #tpu.memory_space<vmem>>) target(%dma_start3A_10 : memref<1056x16xf32, #tpu.memory_space<hbm>>) target_semaphore(%run_scoped3A : memref<!tpu.dma_semaphore, #tpu.memory_space<semaphore_mem>>)
      %dma_wait3A_11 = arith.constant 0 : i32
      %dma_wait3A_12 = tpu.memref_slice %arg4[%mul3A_2, %dma_wait3A_11] : memref<33792x16xf32, #tpu.memory_space<hbm>> -> memref<1056x16xf32, #tpu.memory_space<hbm>>
      %dma_wait3A_13 = arith.constant 0 : i32
      %dma_wait3A_14 = tpu.memref_slice %arg4[%mul3A_2, %dma_wait3A_13] : memref<33792x16xf32, #tpu.memory_space<hbm>> -> memref<1056x16xf32, #tpu.memory_space<hbm>>
      tpu.wait_dma2 semaphore(%run_scoped3A : memref<!tpu.dma_semaphore, #tpu.memory_space<semaphore_mem>>) src(%arg6 : memref<1056x16xf32, #tpu.memory_space<vmem>>) dst(%dma_wait3A_14 : memref<1056x16xf32, #tpu.memory_space<hbm>>)
      tpu.yield
    }) : () -> ()
    return
  }
}

module attributes {stable_mosaic.version = 14 : i64} {
  func.func @_fps_body(%arg0: memref<256x128xf32, #tpu.memory_space<vmem>>, %arg1: memref<256x128xf32, #tpu.memory_space<vmem>>, %arg2: memref<256x128xf32, #tpu.memory_space<vmem>>, %arg3: memref<8x128xi32, #tpu.memory_space<vmem>>, %arg4: memref<8x128xf32, #tpu.memory_space<vmem>>, %arg5: memref<8x128xf32, #tpu.memory_space<vmem>>, %arg6: memref<8x128xf32, #tpu.memory_space<vmem>>) attributes {dimension_semantics = [], scalar_prefetch = 0 : i64, scratch_operands = 0 : i64, tpu.core_type = #tpu.core_type<tc>} {
    %get3A = arith.constant 0 : index
    %get3A_0 = arith.constant 0 : index
    %get3A_1 = vector.load %arg0[%get3A, %get3A_0] : memref<256x128xf32, #tpu.memory_space<vmem>>, vector<256x128xf32>
    %get3A_2 = arith.constant 0 : index
    %get3A_3 = arith.constant 0 : index
    %get3A_4 = vector.load %arg1[%get3A_2, %get3A_3] : memref<256x128xf32, #tpu.memory_space<vmem>>, vector<256x128xf32>
    %get3A_5 = arith.constant 0 : index
    %get3A_6 = arith.constant 0 : index
    %get3A_7 = vector.load %arg2[%get3A_5, %get3A_6] : memref<256x128xf32, #tpu.memory_space<vmem>>, vector<256x128xf32>
    %iota3A = tpu.iota {dimensions = array<i32: 0>} : vector<256x128xi32>
    %mul3A = arith.constant 128 : i32
    %mul3A_8 = vector.broadcast %mul3A : i32 to vector<256x128xi32>
    %mul3A_9 = arith.muli %iota3A, %mul3A_8 : vector<256x128xi32>
    %iota3A_10 = tpu.iota {dimensions = array<i32: 1>} : vector<256x128xi32>
    %add3A = arith.addi %mul3A_9, %iota3A_10 : vector<256x128xi32>
    %iota3A_11 = tpu.iota {dimensions = array<i32: 0>} : vector<8x128xi32>
    %mul3A_12 = arith.constant 128 : i32
    %mul3A_13 = vector.broadcast %mul3A_12 : i32 to vector<8x128xi32>
    %mul3A_14 = arith.muli %iota3A_11, %mul3A_13 : vector<8x128xi32>
    %iota3A_15 = tpu.iota {dimensions = array<i32: 1>} : vector<8x128xi32>
    %add3A_16 = arith.addi %mul3A_14, %iota3A_15 : vector<8x128xi32>
    %broadcast_in_dim3A = arith.constant 0x7F800000 : f32
    %broadcast_in_dim3A_17 = vector.broadcast %broadcast_in_dim3A : f32 to vector<256x128xf32>
    %broadcast_in_dim3A_18 = arith.constant 0.000000e+00 : f32
    %broadcast_in_dim3A_19 = vector.broadcast %broadcast_in_dim3A_18 : f32 to vector<8x128xf32>
    %broadcast_in_dim3A_20 = arith.constant 0 : i32
    %broadcast_in_dim3A_21 = vector.broadcast %broadcast_in_dim3A_20 : i32 to vector<8x128xi32>
    %scan3A = arith.constant 0 : i32
    %scan3A_22 = arith.constant 1 : i32
    %scan3A_23 = arith.constant 1023 : i32
    %scan3A_24 = arith.addi %scan3A_22, %scan3A_23 : i32
    %scan3A_25 = arith.constant 1 : i32
    %scan3A_26:6 = scf.for %scan3A_70 = %scan3A_22 to %scan3A_24 step %scan3A_25 iter_args(%scan3A_71 = %broadcast_in_dim3A_17, %scan3A_72 = %scan3A, %scan3A_73 = %broadcast_in_dim3A_21, %scan3A_74 = %broadcast_in_dim3A_19, %scan3A_75 = %broadcast_in_dim3A_19, %scan3A_76 = %broadcast_in_dim3A_19) -> (vector<256x128xf32>, i32, vector<8x128xi32>, vector<8x128xf32>, vector<8x128xf32>, vector<8x128xf32>)  : i32 {
      %eq3A_77 = vector.broadcast %scan3A_72 : i32 to vector<256x128xi32>
      %eq3A_78 = arith.cmpi eq, %add3A, %eq3A_77 : vector<256x128xi32>
      %jit3A_79 = arith.constant 0.000000e+00 : f32
      %broadcast_in_dim3A_80 = vector.broadcast %jit3A_79 : f32 to vector<256x128xf32>
      %select_n3A_81 = arith.select %eq3A_78, %get3A_1, %broadcast_in_dim3A_80 : vector<256x128xi1>, vector<256x128xf32>
      %reduce_sum3A_82 = vector.shape_cast %select_n3A_81 : vector<256x128xf32> to vector<1x256x128xf32>
      %reduce_sum3A_83 = arith.constant dense<0.000000e+00> : vector<1xf32>
      %reduce_sum3A_84 = vector.multi_reduction <add>, %reduce_sum3A_82, %reduce_sum3A_83 [1, 2] : vector<1x256x128xf32> to vector<1xf32>
      %reduce_sum3A_85 = vector.shape_cast %reduce_sum3A_84 : vector<1xf32> to vector<1x1x1xf32>
      %reduce_sum3A_86 = vector.extract %reduce_sum3A_85[0, 0, 0] : f32 from vector<1x1x1xf32>
      %jit3A_87 = arith.constant 0.000000e+00 : f32
      %broadcast_in_dim3A_88 = vector.broadcast %jit3A_87 : f32 to vector<256x128xf32>
      %select_n3A_89 = arith.select %eq3A_78, %get3A_4, %broadcast_in_dim3A_88 : vector<256x128xi1>, vector<256x128xf32>
      %reduce_sum3A_90 = vector.shape_cast %select_n3A_89 : vector<256x128xf32> to vector<1x256x128xf32>
      %reduce_sum3A_91 = arith.constant dense<0.000000e+00> : vector<1xf32>
      %reduce_sum3A_92 = vector.multi_reduction <add>, %reduce_sum3A_90, %reduce_sum3A_91 [1, 2] : vector<1x256x128xf32> to vector<1xf32>
      %reduce_sum3A_93 = vector.shape_cast %reduce_sum3A_92 : vector<1xf32> to vector<1x1x1xf32>
      %reduce_sum3A_94 = vector.extract %reduce_sum3A_93[0, 0, 0] : f32 from vector<1x1x1xf32>
      %jit3A_95 = arith.constant 0.000000e+00 : f32
      %broadcast_in_dim3A_96 = vector.broadcast %jit3A_95 : f32 to vector<256x128xf32>
      %select_n3A_97 = arith.select %eq3A_78, %get3A_7, %broadcast_in_dim3A_96 : vector<256x128xi1>, vector<256x128xf32>
      %reduce_sum3A_98 = vector.shape_cast %select_n3A_97 : vector<256x128xf32> to vector<1x256x128xf32>
      %reduce_sum3A_99 = arith.constant dense<0.000000e+00> : vector<1xf32>
      %reduce_sum3A_100 = vector.multi_reduction <add>, %reduce_sum3A_98, %reduce_sum3A_99 [1, 2] : vector<1x256x128xf32> to vector<1xf32>
      %reduce_sum3A_101 = vector.shape_cast %reduce_sum3A_100 : vector<1xf32> to vector<1x1x1xf32>
      %reduce_sum3A_102 = vector.extract %reduce_sum3A_101[0, 0, 0] : f32 from vector<1x1x1xf32>
      %sub3A = arith.constant 1 : i32
      %sub3A_103 = arith.subi %scan3A_70, %sub3A : i32
      %eq3A_104 = vector.broadcast %sub3A_103 : i32 to vector<8x128xi32>
      %eq3A_105 = arith.cmpi eq, %add3A_16, %eq3A_104 : vector<8x128xi32>
      %broadcast_in_dim3A_106 = vector.broadcast %reduce_sum3A_86 : f32 to vector<8x128xf32>
      %select_n3A_107 = arith.select %eq3A_105, %broadcast_in_dim3A_106, %scan3A_74 : vector<8x128xi1>, vector<8x128xf32>
      %broadcast_in_dim3A_108 = vector.broadcast %reduce_sum3A_94 : f32 to vector<8x128xf32>
      %select_n3A_109 = arith.select %eq3A_105, %broadcast_in_dim3A_108, %scan3A_75 : vector<8x128xi1>, vector<8x128xf32>
      %broadcast_in_dim3A_110 = vector.broadcast %reduce_sum3A_102 : f32 to vector<8x128xf32>
      %select_n3A_111 = arith.select %eq3A_105, %broadcast_in_dim3A_110, %scan3A_76 : vector<8x128xi1>, vector<8x128xf32>
      %sub3A_112 = vector.broadcast %reduce_sum3A_86 : f32 to vector<256x128xf32>
      %sub3A_113 = arith.subf %get3A_1, %sub3A_112 : vector<256x128xf32>
      %sub3A_114 = vector.broadcast %reduce_sum3A_94 : f32 to vector<256x128xf32>
      %sub3A_115 = arith.subf %get3A_4, %sub3A_114 : vector<256x128xf32>
      %sub3A_116 = vector.broadcast %reduce_sum3A_102 : f32 to vector<256x128xf32>
      %sub3A_117 = arith.subf %get3A_7, %sub3A_116 : vector<256x128xf32>
      %mul3A_118 = arith.mulf %sub3A_113, %sub3A_113 : vector<256x128xf32>
      %mul3A_119 = arith.mulf %sub3A_115, %sub3A_115 : vector<256x128xf32>
      %add3A_120 = arith.addf %mul3A_118, %mul3A_119 : vector<256x128xf32>
      %mul3A_121 = arith.mulf %sub3A_117, %sub3A_117 : vector<256x128xf32>
      %add3A_122 = arith.addf %add3A_120, %mul3A_121 : vector<256x128xf32>
      %min3A = arith.minimumf %scan3A_71, %add3A_122 : vector<256x128xf32>
      %reduce_max3A = vector.shape_cast %min3A : vector<256x128xf32> to vector<1x256x128xf32>
      %reduce_max3A_123 = arith.constant dense<0xFF800000> : vector<1xf32>
      %reduce_max3A_124 = vector.multi_reduction <maximumf>, %reduce_max3A, %reduce_max3A_123 [1, 2] : vector<1x256x128xf32> to vector<1xf32>
      %reduce_max3A_125 = vector.shape_cast %reduce_max3A_124 : vector<1xf32> to vector<1x1x1xf32>
      %reduce_max3A_126 = vector.extract %reduce_max3A_125[0, 0, 0] : f32 from vector<1x1x1xf32>
      %eq3A_127 = vector.broadcast %reduce_max3A_126 : f32 to vector<256x128xf32>
      %eq3A_128 = arith.cmpf oeq, %min3A, %eq3A_127 : vector<256x128xf32>
      %jit3A_129 = arith.constant 32768 : i32
      %broadcast_in_dim3A_130 = vector.broadcast %jit3A_129 : i32 to vector<256x128xi32>
      %select_n3A_131 = arith.select %eq3A_128, %add3A, %broadcast_in_dim3A_130 : vector<256x128xi1>, vector<256x128xi32>
      %reduce_min3A = vector.shape_cast %select_n3A_131 : vector<256x128xi32> to vector<1x256x128xi32>
      %reduce_min3A_132 = arith.constant dense<2147483647> : vector<1xi32>
      %reduce_min3A_133 = vector.multi_reduction <minsi>, %reduce_min3A, %reduce_min3A_132 [1, 2] : vector<1x256x128xi32> to vector<1xi32>
      %reduce_min3A_134 = vector.shape_cast %reduce_min3A_133 : vector<1xi32> to vector<1x1x1xi32>
      %reduce_min3A_135 = vector.extract %reduce_min3A_134[0, 0, 0] : i32 from vector<1x1x1xi32>
      %eq3A_136 = vector.broadcast %scan3A_70 : i32 to vector<8x128xi32>
      %eq3A_137 = arith.cmpi eq, %add3A_16, %eq3A_136 : vector<8x128xi32>
      %broadcast_in_dim3A_138 = vector.broadcast %reduce_min3A_135 : i32 to vector<8x128xi32>
      %select_n3A_139 = arith.select %eq3A_137, %broadcast_in_dim3A_138, %scan3A_73 : vector<8x128xi1>, vector<8x128xi32>
      scf.yield %min3A, %reduce_min3A_135, %select_n3A_139, %select_n3A_107, %select_n3A_109, %select_n3A_111 : vector<256x128xf32>, i32, vector<8x128xi32>, vector<8x128xf32>, vector<8x128xf32>, vector<8x128xf32>
    }
    %scan3A_27 = arith.constant 1023 : i32
    %eq3A = vector.broadcast %scan3A_26#1 : i32 to vector<256x128xi32>
    %eq3A_28 = arith.cmpi eq, %add3A, %eq3A : vector<256x128xi32>
    %jit3A = arith.constant 0.000000e+00 : f32
    %broadcast_in_dim3A_29 = vector.broadcast %jit3A : f32 to vector<256x128xf32>
    %select_n3A = arith.select %eq3A_28, %get3A_1, %broadcast_in_dim3A_29 : vector<256x128xi1>, vector<256x128xf32>
    %reduce_sum3A = vector.shape_cast %select_n3A : vector<256x128xf32> to vector<1x256x128xf32>
    %reduce_sum3A_30 = arith.constant dense<0.000000e+00> : vector<1xf32>
    %reduce_sum3A_31 = vector.multi_reduction <add>, %reduce_sum3A, %reduce_sum3A_30 [1, 2] : vector<1x256x128xf32> to vector<1xf32>
    %reduce_sum3A_32 = vector.shape_cast %reduce_sum3A_31 : vector<1xf32> to vector<1x1x1xf32>
    %reduce_sum3A_33 = vector.extract %reduce_sum3A_32[0, 0, 0] : f32 from vector<1x1x1xf32>
    %jit3A_34 = arith.constant 0.000000e+00 : f32
    %broadcast_in_dim3A_35 = vector.broadcast %jit3A_34 : f32 to vector<256x128xf32>
    %select_n3A_36 = arith.select %eq3A_28, %get3A_4, %broadcast_in_dim3A_35 : vector<256x128xi1>, vector<256x128xf32>
    %reduce_sum3A_37 = vector.shape_cast %select_n3A_36 : vector<256x128xf32> to vector<1x256x128xf32>
    %reduce_sum3A_38 = arith.constant dense<0.000000e+00> : vector<1xf32>
    %reduce_sum3A_39 = vector.multi_reduction <add>, %reduce_sum3A_37, %reduce_sum3A_38 [1, 2] : vector<1x256x128xf32> to vector<1xf32>
    %reduce_sum3A_40 = vector.shape_cast %reduce_sum3A_39 : vector<1xf32> to vector<1x1x1xf32>
    %reduce_sum3A_41 = vector.extract %reduce_sum3A_40[0, 0, 0] : f32 from vector<1x1x1xf32>
    %jit3A_42 = arith.constant 0.000000e+00 : f32
    %broadcast_in_dim3A_43 = vector.broadcast %jit3A_42 : f32 to vector<256x128xf32>
    %select_n3A_44 = arith.select %eq3A_28, %get3A_7, %broadcast_in_dim3A_43 : vector<256x128xi1>, vector<256x128xf32>
    %reduce_sum3A_45 = vector.shape_cast %select_n3A_44 : vector<256x128xf32> to vector<1x256x128xf32>
    %reduce_sum3A_46 = arith.constant dense<0.000000e+00> : vector<1xf32>
    %reduce_sum3A_47 = vector.multi_reduction <add>, %reduce_sum3A_45, %reduce_sum3A_46 [1, 2] : vector<1x256x128xf32> to vector<1xf32>
    %reduce_sum3A_48 = vector.shape_cast %reduce_sum3A_47 : vector<1xf32> to vector<1x1x1xf32>
    %reduce_sum3A_49 = vector.extract %reduce_sum3A_48[0, 0, 0] : f32 from vector<1x1x1xf32>
    %eq3A_50 = arith.constant 1023 : i32
    %eq3A_51 = vector.broadcast %eq3A_50 : i32 to vector<8x128xi32>
    %eq3A_52 = arith.cmpi eq, %add3A_16, %eq3A_51 : vector<8x128xi32>
    %swap3A = arith.constant 0 : index
    %swap3A_53 = arith.constant 0 : index
    %swap3A_54 = vector.load %arg3[%swap3A, %swap3A_53] : memref<8x128xi32, #tpu.memory_space<vmem>>, vector<8x128xi32>
    tpu.vector_store %arg3[%swap3A, %swap3A_53], %scan3A_26#2 {strides = array<i32>} : memref<8x128xi32, #tpu.memory_space<vmem>>, vector<8x128xi32>,
    %broadcast_in_dim3A_55 = vector.broadcast %reduce_sum3A_33 : f32 to vector<8x128xf32>
    %select_n3A_56 = arith.select %eq3A_52, %broadcast_in_dim3A_55, %scan3A_26#3 : vector<8x128xi1>, vector<8x128xf32>
    %swap3A_57 = arith.constant 0 : index
    %swap3A_58 = arith.constant 0 : index
    %swap3A_59 = vector.load %arg4[%swap3A_57, %swap3A_58] : memref<8x128xf32, #tpu.memory_space<vmem>>, vector<8x128xf32>
    tpu.vector_store %arg4[%swap3A_57, %swap3A_58], %select_n3A_56 {strides = array<i32>} : memref<8x128xf32, #tpu.memory_space<vmem>>, vector<8x128xf32>,
    %broadcast_in_dim3A_60 = vector.broadcast %reduce_sum3A_41 : f32 to vector<8x128xf32>
    %select_n3A_61 = arith.select %eq3A_52, %broadcast_in_dim3A_60, %scan3A_26#4 : vector<8x128xi1>, vector<8x128xf32>
    %swap3A_62 = arith.constant 0 : index
    %swap3A_63 = arith.constant 0 : index
    %swap3A_64 = vector.load %arg5[%swap3A_62, %swap3A_63] : memref<8x128xf32, #tpu.memory_space<vmem>>, vector<8x128xf32>
    tpu.vector_store %arg5[%swap3A_62, %swap3A_63], %select_n3A_61 {strides = array<i32>} : memref<8x128xf32, #tpu.memory_space<vmem>>, vector<8x128xf32>,
    %broadcast_in_dim3A_65 = vector.broadcast %reduce_sum3A_49 : f32 to vector<8x128xf32>
    %select_n3A_66 = arith.select %eq3A_52, %broadcast_in_dim3A_65, %scan3A_26#5 : vector<8x128xi1>, vector<8x128xf32>
    %swap3A_67 = arith.constant 0 : index
    %swap3A_68 = arith.constant 0 : index
    %swap3A_69 = vector.load %arg6[%swap3A_67, %swap3A_68] : memref<8x128xf32, #tpu.memory_space<vmem>>, vector<8x128xf32>
    tpu.vector_store %arg6[%swap3A_67, %swap3A_68], %select_n3A_66 {strides = array<i32>} : memref<8x128xf32, #tpu.memory_space<vmem>>, vector<8x128xf32>,
    return
  }
}

module attributes {stable_mosaic.version = 14 : i64} {
  func.func @_knn_body(%arg0: i32, %arg1: memref<128x8xf32, #tpu.memory_space<vmem>>, %arg2: memref<8x32768xf32, #tpu.memory_space<vmem>>, %arg3: memref<128x32xi32, #tpu.memory_space<vmem>>) attributes {dimension_semantics = [#tpu.dimension_semantics<arbitrary>], iteration_bounds = array<i64: 8>, scalar_prefetch = 0 : i64, scratch_operands = 0 : i64, tpu.core_type = #tpu.core_type<tc>, window_params = [{transform_indices = @transform_0, window_bounds = array<i64: 128, 8>}, {pipeline_mode = #tpu.pipeline_mode<synchronous>, transform_indices = @transform_1, window_bounds = array<i64: 8, 32768>}, {transform_indices = @transform_2, window_bounds = array<i64: 128, 32>}]} {
    %get3A = arith.constant 0 : index
    %get3A_0 = arith.constant 0 : index
    %get3A_1 = vector.load %arg1[%get3A, %get3A_0] : memref<128x8xf32, #tpu.memory_space<vmem>>, vector<128x8xf32>
    %get3A_2 = arith.constant 0 : index
    %get3A_3 = arith.constant 0 : index
    %get3A_4 = vector.load %arg2[%get3A_2, %get3A_3] : memref<8x32768xf32, #tpu.memory_space<vmem>>, vector<8x32768xf32>
    %slice3A = vector.extract_strided_slice %get3A_1 {offsets = [0, 0], sizes = [128, 1], strides = [1, 1]} : vector<128x8xf32> to vector<128x1xf32>
    %slice3A_5 = vector.extract_strided_slice %get3A_1 {offsets = [0, 1], sizes = [128, 1], strides = [1, 1]} : vector<128x8xf32> to vector<128x1xf32>
    %slice3A_6 = vector.extract_strided_slice %get3A_1 {offsets = [0, 2], sizes = [128, 1], strides = [1, 1]} : vector<128x8xf32> to vector<128x1xf32>
    %slice3A_7 = vector.extract_strided_slice %get3A_4 {offsets = [0, 0], sizes = [1, 32768], strides = [1, 1]} : vector<8x32768xf32> to vector<1x32768xf32>
    %slice3A_8 = vector.extract_strided_slice %get3A_4 {offsets = [1, 0], sizes = [1, 32768], strides = [1, 1]} : vector<8x32768xf32> to vector<1x32768xf32>
    %slice3A_9 = vector.extract_strided_slice %get3A_4 {offsets = [2, 0], sizes = [1, 32768], strides = [1, 1]} : vector<8x32768xf32> to vector<1x32768xf32>
    %mul3A = arith.mulf %slice3A, %slice3A : vector<128x1xf32>
    %mul3A_10 = arith.mulf %slice3A_5, %slice3A_5 : vector<128x1xf32>
    %add3A = arith.addf %mul3A, %mul3A_10 : vector<128x1xf32>
    %mul3A_11 = arith.mulf %slice3A_6, %slice3A_6 : vector<128x1xf32>
    %add3A_12 = arith.addf %add3A, %mul3A_11 : vector<128x1xf32>
    %mul3A_13 = arith.mulf %slice3A_7, %slice3A_7 : vector<1x32768xf32>
    %mul3A_14 = arith.mulf %slice3A_8, %slice3A_8 : vector<1x32768xf32>
    %add3A_15 = arith.addf %mul3A_13, %mul3A_14 : vector<1x32768xf32>
    %mul3A_16 = arith.mulf %slice3A_9, %slice3A_9 : vector<1x32768xf32>
    %add3A_17 = arith.addf %add3A_15, %mul3A_16 : vector<1x32768xf32>
    %dot_general3A = arith.constant dense<0.000000e+00> : vector<128x32768xf32>
    %dot_general3A_18 = tpu.matmul %get3A_1, %get3A_4, %dot_general3A {dimension_numbers = #tpu.dot_dimension_numbers<[1], [0], [0], [1], [0, 0, 1, 1], [], []>, transpose_lhs_hint = false} : vector<128x8xf32>, vector<8x32768xf32>, vector<128x32768xf32> -> vector<128x32768xf32>
    %mul3A_19 = arith.constant 2.000000e+00 : f32
    %mul3A_20 = vector.broadcast %mul3A_19 : f32 to vector<128x32768xf32>
    %mul3A_21 = arith.mulf %mul3A_20, %dot_general3A_18 : vector<128x32768xf32>
    %sub3A = vector.broadcast %add3A_12 : vector<128x1xf32> to vector<128x32768xf32>
    %sub3A_22 = arith.subf %sub3A, %mul3A_21 : vector<128x32768xf32>
    %add3A_23 = vector.broadcast %add3A_17 : vector<1x32768xf32> to vector<128x32768xf32>
    %add3A_24 = arith.addf %sub3A_22, %add3A_23 : vector<128x32768xf32>
    %iota3A = tpu.iota {dimensions = array<i32: 1>} : vector<128x32768xi32>
    %iota3A_25 = tpu.iota {dimensions = array<i32: 1>} : vector<128x32xi32>
    %broadcast_in_dim3A = arith.constant 0 : i32
    %broadcast_in_dim3A_26 = vector.broadcast %broadcast_in_dim3A : i32 to vector<128x32xi32>
    %scan3A = arith.constant 0 : i32
    %scan3A_27 = arith.constant 32 : i32
    %scan3A_28 = arith.addi %scan3A, %scan3A_27 : i32
    %scan3A_29 = arith.constant 1 : i32
    %scan3A_30:2 = scf.for %scan3A_34 = %scan3A to %scan3A_28 step %scan3A_29 iter_args(%scan3A_35 = %add3A_24, %scan3A_36 = %broadcast_in_dim3A_26) -> (vector<128x32768xf32>, vector<128x32xi32>)  : i32 {
      %reduce_min3A = arith.constant dense<0x7F800000> : vector<128xf32>
      %reduce_min3A_37 = vector.multi_reduction <minimumf>, %scan3A_35, %reduce_min3A [1] : vector<128x32768xf32> to vector<128xf32>
      %broadcast_in_dim3A_38 = vector.shape_cast %reduce_min3A_37 : vector<128xf32> to vector<128x1xf32>
      %eq3A = vector.broadcast %broadcast_in_dim3A_38 : vector<128x1xf32> to vector<128x32768xf32>
      %eq3A_39 = arith.cmpf oeq, %scan3A_35, %eq3A : vector<128x32768xf32>
      %jit3A = arith.constant 32768 : i32
      %broadcast_in_dim3A_40 = vector.broadcast %jit3A : i32 to vector<128x32768xi32>
      %select_n3A = arith.select %eq3A_39, %iota3A, %broadcast_in_dim3A_40 : vector<128x32768xi1>, vector<128x32768xi32>
      %reduce_min3A_41 = arith.constant dense<2147483647> : vector<128xi32>
      %reduce_min3A_42 = vector.multi_reduction <minsi>, %select_n3A, %reduce_min3A_41 [1] : vector<128x32768xi32> to vector<128xi32>
      %broadcast_in_dim3A_43 = vector.shape_cast %reduce_min3A_42 : vector<128xi32> to vector<128x1xi32>
      %eq3A_44 = vector.broadcast %scan3A_34 : i32 to vector<128x32xi32>
      %eq3A_45 = arith.cmpi eq, %iota3A_25, %eq3A_44 : vector<128x32xi32>
      %broadcast_in_dim3A_46 = vector.shape_cast %broadcast_in_dim3A_43 : vector<128x1xi32> to vector<128x1xi32>
      %broadcast_in_dim3A_47 = vector.broadcast %broadcast_in_dim3A_46 : vector<128x1xi32> to vector<128x32xi32>
      %select_n3A_48 = arith.select %eq3A_45, %broadcast_in_dim3A_47, %scan3A_36 : vector<128x32xi1>, vector<128x32xi32>
      %eq3A_49 = vector.broadcast %broadcast_in_dim3A_43 : vector<128x1xi32> to vector<128x32768xi32>
      %eq3A_50 = arith.cmpi eq, %iota3A, %eq3A_49 : vector<128x32768xi32>
      %jit3A_51 = arith.constant 0x7F800000 : f32
      %broadcast_in_dim3A_52 = vector.broadcast %jit3A_51 : f32 to vector<128x32768xf32>
      %select_n3A_53 = arith.select %eq3A_50, %broadcast_in_dim3A_52, %scan3A_35 : vector<128x32768xi1>, vector<128x32768xf32>
      scf.yield %select_n3A_53, %select_n3A_48 : vector<128x32768xf32>, vector<128x32xi32>
    }
    %scan3A_31 = arith.constant 32 : i32
    %swap3A = arith.constant 0 : index
    %swap3A_32 = arith.constant 0 : index
    %swap3A_33 = vector.load %arg3[%swap3A, %swap3A_32] : memref<128x32xi32, #tpu.memory_space<vmem>>, vector<128x32xi32>
    tpu.vector_store %arg3[%swap3A, %swap3A_32], %scan3A_30#1 {strides = array<i32>} : memref<128x32xi32, #tpu.memory_space<vmem>>, vector<128x32xi32>,
    return
  }
  func.func @transform_0(%arg0: i32) -> (i32, i32) {
    %c0_i32 = arith.constant 0 : i32
    %c0_i32_0 = arith.constant 0 : i32
    return %arg0, %c0_i32 : i32, i32
  }
  func.func @transform_1(%arg0: i32) -> (i32, i32) {
    %c0_i32 = arith.constant 0 : i32
    %c0_i32_0 = arith.constant 0 : i32
    %c0_i32_1 = arith.constant 0 : i32
    return %c0_i32, %c0_i32_0 : i32, i32
  }
  func.func @transform_2(%arg0: i32) -> (i32, i32) {
    %c0_i32 = arith.constant 0 : i32
    %c0_i32_0 = arith.constant 0 : i32
    return %arg0, %c0_i32 : i32, i32
  }
}

</mosaic_0001>

<sc_bundles>
// kernel: kernel.5.cloned.1.call-start
scs
__scs_entry_jumppad:
0x0: {  	(pc) =	sbr.rel $0x88, $3  }
0x1: {  	(tag) =	ssettag $0x0;
	lr =	simm.s32 $0x1  }
0x2: {  	[smem:$0x3FA0] =	sst lr;
	_ =	strace $0xD0000000  }
0x3: {  	_ = 	snop  }
0x4: {  	_ = 	snop  }
0x5: {  	_ = 	snop  }
0x6: {  	_ = 	snop  }
0x7: {  	_ = 	snop  }
__scs_overlays_trampoline_lowered:
0x8: {  	[smem:$0x3FAF] =	sst s0  }
0x9: {  	[smem:$0x3FB0] =	sst s1  }
0xa: {  	[smem:$0x3FB1] =	sst s2  }
0xb: {  	[smem:$0x3FB2] =	sst s3  }
0xc: {  	[smem:$0x3FB3] =	sst s4  }
0xd: {  	[smem:$0x3FB4] =	sst s5  }
0xe: {  	[smem:$0x3FB5] =	sst s6  }
0xf: {  	[smem:$0x3FB6] =	sst s7  }
0x10: {  	[smem:$0x3FB7] =	sst s8  }
0x11: {  	[smem:$0x3FB8] =	sst s9;
	s0 =	simm.s32 @!p0 $0x0  }
0x12: {  	s1 =	sld [smem:$0x3F9E];
	s0 =	simm.s32 @p0 $0x1  }
0x13: {  	[smem:$0x3FB9] =	sst s0;
	s0 =	simm.s32 @!p1 $0x0  }
0x14: {  	s2 =	sld [smem:$0x3F9D];
	s0 =	simm.s32 @p1 $0x1  }
0x15: {  	[smem:$0x3FBA] =	sst s0;
	s0 =	simm.s32 @!p2 $0x0  }
0x16: {  	s3 =	sld [smem:$0x3FDB];
	s0 =	simm.s32 @p2 $0x1  }
0x17: {  	s4 =	simm.s32 $0x1BF5;
	[smem:$0x3FBC] =	sst s0  }
0x18: {  	s0 =	sld [smem:$0x3F9F];
	_ =	swait.ge [sflag:s4], $0x0  }
0x19: {  	s7 =	sld [smem:$0x3FA0]  }
0x1a: {  	s8 =	sadd.s32 $0xFFFFE003, lr  }
0x1b: {  	s9 =	sadd.s32 $0xFFFFFEF7, lr;
	s5 =	simm.s32 $0xFFFFFFFF;
	p2 =	slt.u32 s8, $0xFFFFF086  }
0x1c: {  	p1 =	slt.u32 s9, $0xF7A;
	s5 =	simm.s32 @!p2 $0x0  }
0x1d: {  	s5 =	simm.s32 @p1 $0x1;
	p0 =	seq.s32 s7, s2  }
0x1e: {  	s7 =	smul.u32 @!p0 $0xF7A, s2;
	p2 =	seq.s32 @!p0 s5, $0x0  }
0x1f: {  	s9 =	smul.u32 $0xF7A, s1;
	s8 =	simm.s32 @!p0 $0x1BF5;
	p2 =	por !p2, p0  }
0x20: {  	[sflag:s8] =	ssyncset.s32 @!p0 $0xFFFFF086;
	s6 =	sadd.s32 @!p0 s3, s7;
	s7 =	simm.s32 @!p0 $0x108  }
0x21: {  	s3 =	sadd.s32 s3, s9;
	s6 =	sadd.s32 @!p0 $0x88, s6;
	s7 =	simm.s32 @p2 $0x1082  }
0x22: {  	[simem:s7], [sflag:s8] =	dma.local @!p0 [hbm:s6], $0xF7A  }
0x23: {  	s9 =	sor.u32 $0xD0000000, s2;
	s6 =	simm.s32 $0x108;
	_ =	swait.ge @!p0 [sflag:s8], $0x0  }
0x24: {  	s3 =	sadd.s32 $0x88, s3;
	s6 =	simm.s32 @!p1 $0x1082;
	[sflag:s4] =	ssyncset.s32 $0xFFFFF086  }
0x25: {  	[simem:s6], [sflag:s4] =	dma.local [hbm:s3], $0xF7A  }
0x26: {  	[smem:$0x3FA0] =	sst s1;
	(tag) =	ssettag s2;
	_ =	strace s9  }
0x27: {  	s1 =	sld [smem:$0x3FB0]  }
0x28: {  	s2 =	sld [smem:$0x3FB1]  }
0x29: {  	s4 =	sld [smem:$0x3FB3]  }
0x2a: {  	p0 =	seq.s32 s5, $0x0;
	s5 =	sld [smem:$0x3FB4]  }
0x2b: {  	s6 =	sld [smem:$0x3FB5]  }
0x2c: {  	s7 =	sld [smem:$0x3FB6]  }
0x2d: {  	s3 =	simm.s32 $0x108;
	s8 =	sld [smem:$0x3FB7]  }
0x2e: {  	s3 =	simm.s32 @!p0 $0x1082;
	s9 =	sld [smem:$0x3FB8]  }
0x2f: {  	lr =	sadd.s32 s0, s3;
	s0 =	sld [smem:$0x3FAF]  }
0x30: {  	s3 =	sld [smem:$0x3FB2]  }
0x31: {  	[smem:$0x3FBB] =	sst s10  }
0x32: {  	s10 =	sld [smem:$0x3FB9];
	_ =	sdelay $0x3  }
0x33: {  	p0 =	seq.s32 s10, $0x1;
	s10 =	sld [smem:$0x3FBB];
	_ =	sdelay $0x3  }
0x34: {  	[smem:$0x3FBB] =	sst s10  }
0x35: {  	s10 =	sld [smem:$0x3FBA];
	_ =	sdelay $0x3  }
0x36: {  	p1 =	seq.s32 s10, $0x1;
	s10 =	sld [smem:$0x3FBB];
	_ =	sdelay $0x3  }
0x37: {  	[smem:$0x3FBB] =	sst s10  }
0x38: {  	s10 =	sld [smem:$0x3FBC]  }
0x39: {  	_ = 	snop;
	(pc) =	sbr.ind lr, $3  }
0x3a: {  	_ = 	snop  }
0x3b: {  	_ = 	snop  }
0x3c: {  	p2 =	seq.s32 s10, $0x1;
	s10 =	sld [smem:$0x3FBB]  }
0x3d: {  	_ =	shalt  }
0x3e: {  	_ =	shalt  }
0x3f: {  	_ =	shalt  }
0x40: {  	_ =	shalt  }
0x41: {  	_ =	shalt  }
0x42: {  	_ =	shalt  }
0x43: {  	_ =	shalt  }
0x44: {  	_ =	shalt  }
0x45: {  	_ =	shalt  }
0x46: {  	_ =	shalt  }
0x47: {  	_ =	shalt  }
0x48: {  	_ =	shalt  }
0x49: {  	_ =	shalt  }
0x4a: {  	_ =	shalt  }
0x4b: {  	_ =	shalt  }
0x4c: {  	_ =	shalt  }
0x4d: {  	_ =	shalt  }
0x4e: {  	_ =	shalt  }
0x4f: {  	_ =	shalt  }
0x50: {  	_ =	shalt  }
0x51: {  	_ =	shalt  }
0x52: {  	_ =	shalt  }
0x53: {  	_ =	shalt  }
0x54: {  	_ =	shalt  }
0x55: {  	_ =	shalt  }
0x56: {  	_ =	shalt  }
0x57: {  	_ =	shalt  }
0x58: {  	_ =	shalt  }
0x59: {  	_ =	shalt  }
0x5a: {  	_ =	shalt  }
0x5b: {  	_ =	shalt  }
0x5c: {  	_ =	shalt  }
0x5d: {  	_ =	shalt  }
0x5e: {  	_ =	shalt  }
0x5f: {  	_ =	shalt  }
0x60: {  	_ =	shalt  }
0x61: {  	_ =	shalt  }
0x62: {  	_ =	shalt  }
0x63: {  	_ =	shalt  }
0x64: {  	_ =	shalt  }
0x65: {  	_ =	shalt  }
0x66: {  	_ =	shalt  }
0x67: {  	_ =	shalt  }
0x68: {  	_ =	shalt  }
0x69: {  	_ =	shalt  }
0x6a: {  	_ =	shalt  }
0x6b: {  	_ =	shalt  }
0x6c: {  	_ =	shalt  }
0x6d: {  	_ =	shalt  }
0x6e: {  	_ =	shalt  }
0x6f: {  	_ =	shalt  }
0x70: {  	_ =	shalt  }
0x71: {  	_ =	shalt  }
0x72: {  	_ =	shalt  }
0x73: {  	_ =	shalt  }
0x74: {  	_ =	shalt  }
0x75: {  	_ =	shalt  }
0x76: {  	_ =	shalt  }
0x77: {  	_ =	shalt  }
0x78: {  	_ =	shalt  }
0x79: {  	_ =	shalt  }
0x7a: {  	_ =	shalt  }
0x7b: {  	_ =	shalt  }
0x7c: {  	_ =	shalt  }
0x7d: {  	_ =	shalt  }
0x7e: {  	_ =	shalt  }
0x7f: {  	_ =	shalt  }
0x80: {  	_ =	shalt  }
0x81: {  	_ =	shalt  }
0x82: {  	_ =	shalt  }
0x83: {  	_ =	shalt  }
0x84: {  	_ =	shalt  }
0x85: {  	_ =	shalt  }
0x86: {  	_ =	shalt  }
0x87: {  	_ =	shalt  }
.Lfunc_end0:
.L_simem_size_0:
called_computation_lowered:
.L_overlay_start_0:
0x88: {  	s2 =	sld [smem:$0x3FD9]  }
0x89: {  	s3 =	sld [smem:$0x3FFE];
	_ =	sdelay $0x1  }
0x8a: {  	s1 =	srdreg.scid  }
0x8b: {  	s0 =	sand.u32 $0x1, s1  }
0x8c: {  	s14 =	sshll.u32 s0, $0xA;
	s2 =	sadd.s32 s3, s2  }
0x8d: {  	s2 =	sadd.s32 s2, s14  }
0x8e: {  	[smem:$0x3FC7] =	sst s2  }
0x8f: {  	_ = 	snop  }
0x90: {  	s2 =	sld [smem:$0x3FD0];
	_ =	sdelay $0x2  }
0x91: {  	s15 =	simm.s32 $0xA;
	s4 =	simm.s32 $0x10  }
0x92: {  	[smem:s4], [sflag:s15] =	dma.local [hbm:s2], $0x1  }
0x93: {  	_ =	swait.eq [sflag:s15], $0x1  }
0x94: {  	[sflag:s15] =	ssyncset.done $0x0  }
0x95: {  	[sflag:s15] =	ssyncadd.s32 $0xFFFFFFFF  }
0x96: {  	s16 =	sld [smem:$0x10];
	(tm) =	ssettm $0x1  }
0x97: {  	s17 =	sld [smem:$0x3FFB];
	_ =	sdelay $0x3  }
0x98: {  	_ =	strace s17  }
0x99: {  	s3 =	sld [smem:$0x3FFC];
	_ =	sdelay $0x3  }
0x9a: {  	_ =	strace s3  }
0x9b: {  	s3 =	sld [smem:$0x3FFD];
	_ =	sdelay $0x3  }
0x9c: {  	_ =	strace s3  }
0x9d: {  	_ =	strace $0x8FFFFFFF  }
0x9e: {  	s18 =	sld [smem:$0x3FDB];
	_ =	sdelay $0x1  }
0x9f: {  	s19 =	simm.s32 $_scs_section_size  }
0xa0: {  	s5 =	simm.s32 $_size__tile_overlayer_lowered;
	s6 =	simm.s32 $_tile_overlayer_lowered  }
0xa1: {  	s22 =	simm.s32 $0x1BFF;
	s21 =	sshll.u32 s6, $0x1;
	s3 =	sadd.s32 s19, s18  }
0xa2: {  	s7 =	simm.s32 $0x0;
	s20 =	sshll.u32 s5, $0x1;
	s5 =	sadd.s32 s21, s3  }
0xa3: {  	[timem:s7], [sflag:s22] =	dma.local [hbm:s5], s20  }
0xa4: {  	_ =	swait.ge [sflag:s22], s20  }
0xa5: {  	s4 =	ssub.s32 $0x0, s20;
	[sflag:s22] =	ssyncset.done $0x0  }
0xa6: {  	[sflag:s22] =	ssyncadd.s32 s4;
	_ =	sdelay $0x1  }
0xa7: {  	s23 =	simm.s32 $0x1B8B  }
0xa8: {  	_ =	swait.ge [sflag:s23], $0x1  }
0xa9: {  	[sflag:s23] =	ssyncset.done $0x0  }
0xaa: {  	s25 =	simm.s32 $0x1B8E;
	s24 =	sld [smem:$0x3FFE];
	[sflag:s23] =	ssyncadd.s32 $0xFFFFFFFF  }
0xab: {  	s26 =	simm.s32 $execute0_lowered;
	[smem:$0x3FD2] =	sst s25  }
0xac: {  	s5 =	sshll.u32 s26, $0x1;
	_ =	strace $0x80000046;
	[dreg:$0x1] =	wrdreg $0xFFFFFFFF  }
0xad: {  	s28 =	simm.s32 $_size_execute0_lowered;
	s3 =	sadd.s32 s3, s5;
	[dreg:$0x0] =	wrdreg $0x0  }
0xae: {  	s5 =	sshll.u32 s28, $0x1;
	[dreg:$0x2] =	wrdreg s3  }
0xaf: {  	[dreg:$0x3] =	wrdreg s5  }
0xb0: {  	[dreg:$0x4] =	wrdreg $0xC0  }
0xb1: {  	_ =	task [dreg:s7], $0x5FFFF  }
0xb2: {  	[dreg:$0x1] =	wrdreg $0xFFFFFFFF  }
0xb3: {  	[dreg:$0x0] =	wrdreg $0x60  }
0xb4: {  	[dreg:$0x2] =	wrdreg s24  }
0xb5: {  	[dreg:$0x3] =	wrdreg s16  }
0xb6: {  	[dreg:$0x4] =	wrdreg $0x9  }
0xb7: {  	_ =	task.clear_ibuf [dreg:s7], $0x5FFFF;
	_ =	strace $0x90000046  }
0xb8: {  	s29 =	simm.s32 $0x9;
	_ =	strace $0x80000048  }
0xb9: {  	_ =	swait.ge [sflag:s29], $0x1  }
0xba: {  	[sflag:s29] =	ssyncadd.s32 $0xFFFFFFFF  }
0xbb: {  	_ =	strace $0x90000048  }
0xbc: {  	_ =	sfence  }
0xbd: {  	s30 =	sld [smem:$0x0];
	_ =	sdelay $0x2  }
0xbe: {  	s31 =	sshll.u32 s1, $0xD;
	s1 =	sshrl.u32 s1, $0x2  }
0xbf: {  	s3 =	sand.u32 $0x4000, s31;
	s1 =	sadd.s32 s1, s30  }
0xc0: {  	s0 =	sor.u32 s3, s0;
	s1 =	sshll.u32 s1, $0x11  }
0xc1: {  	s0 =	sor.u32 s1, s0  }
0xc2: {  	s0 =	sadd.s32 $0x8F2B, s0  }
0xc3: {  	[sflag:s0] =	ssyncadd.remote.s32 $0x1  }
0xc4: {  	_ =	sfence.sel $0xFFFF  }
0xc5: {  	[dreg:$0x0] =	wrdreg $0xFFFFFFFF;
	(pc) =	sbr.abs _section_cstart, $3  }
0xc6: {  	[dreg:$0x1] =	wrdreg $0xFFFFFFFF  }
0xc7: {  	_ =	task.clear_ibuf [dreg:s7], $0x2FFFF;
	_ =	strace $0x9FFFFFFF  }
0xc8: {  	(tm) =	ssettm $0x7FFFFFFF  }
0xc9: {  	_ =	shalt  }
tec
execute0_lowered:
.L_overlay_start_1:
0x0: {  	(tag) =	ssettag $0x1  }
0x1: {  	s1 =	srdreg.scid;
	s0 =	stileid.u32  }
0x2: {  	s8 =	rddreg [dreg:$0x0];
	s6 =	sand.u32 $0x1, s1;
	s30 =	sshll.u32 s0, $0x1  }
0x3: {  	s3 =	rddreg [dreg:$0x1];
	s2 =	simm.s32 $0x0;
	s9 =	sor.u32 s6, s30  }
0x4: {  	[smem:$0x7FF] =	sst s2;
	s4 =	smul.u32 $0x84, s9  }
0x5: {  	s1 =	rddreg [dreg:$0x2];
	_ =	strace $0x80000047  }
0x6: {  	s10 =	ssub.s32 $0x2, s6;
	s4 =	sadd.s32 s3, s4;
	s3 =	simm.s32 $0x2  }
0x7: {  	[tilespmem:s2], [sflag:$0x2] =	stream.linear.gather [hbm4b:s4+s2], $0x420, $0x38;
	[tilespmem:$0x4620] =	vst v63  }
0x8: {  	s7 =	simm.s32 $0x1;
	s11 =	sshrl.u32 s10, $0x1;
	_ =	swait.ge [sflag:s3], $0x420  }
0x9: {  	s5 =	sadd.s32 $0x80000, s8;
	s10 =	ssub.s32 s10, s11;
	[sflag:s3] =	ssyncset.done $0x0  }
0xa: {  	s6 =	simm.s32 $0x420;
	s31 =	smax.u32 s10, $0x1;
	[sflag:s3] =	ssyncadd.s32 $0xFFFFFBE0  }
0xb: {  	[tilespmem:s6], [sflag:$0x1] =	stream.indirect.gather [hbm4b:s5+s6], $0x10, s2, s6, $0xb8;
	[tilespmem:$0x4620] =	vst v63  }
0xc: {  	s9 =	smul.u32 $0x840, s9;
	p0 =	sne.s32 s31, $0x1;
	_ =	swait.ge [sflag:s7], $0x4200  }
.Ltmp0:
0xd: {  	[sflag:s7] =	ssyncset.done $0x0;
	(pc) =	sbr.rel @!p0 .LBB2_2-.Ltmp0, $4  }
0xe: {  	s8 =	sadd.s32 s8, s9;
	[sflag:s7] =	ssyncadd.s32 $0xFFFFBE00  }
0xf: {  	[hbm4b:s8+s2] =	stream.linear.scatter [tilespmem:s6], [sflag:$0x2], $0x4200, $0x38;
	[tilespmem:$0x4620] =	vst v63  }
0x10: {  	_ =	swait.ge [sflag:s3], $0x4200  }
0x11: {  	s9 =	sadd.s32 $0xFFFFFFFF, s31;
	[sflag:s3] =	ssyncset.done $0x0  }
.LBB2_1:
0x12: {  	p0 =	sne.s32 s9, $0x1;
	s9 =	sadd.s32 $0xFFFFFFFF, s9;
	[sflag:s3] =	ssyncadd.s32 $0xFFFFBE00  }
0x13: {  	[tilespmem:s2], [sflag:$0x2] =	stream.linear.gather [hbm4b:s4+s2], $0x420, $0x38;
	[tilespmem:$0x4620] =	vst v63  }
0x14: {  	_ =	swait.ge [sflag:s3], $0x420  }
0x15: {  	[sflag:s3] =	ssyncset.done $0x0  }
0x16: {  	[sflag:s3] =	ssyncadd.s32 $0xFFFFFBE0  }
0x17: {  	[tilespmem:s6], [sflag:$0x1] =	stream.indirect.gather [hbm4b:s5+s6], $0x10, s2, s6, $0xb8;
	[tilespmem:$0x4620] =	vst v63  }
0x18: {  	_ =	swait.ge [sflag:s7], $0x4200  }
.Ltmp1:
0x19: {  	[sflag:s7] =	ssyncset.done $0x0;
	(pc) =	sbr.rel @p0 .LBB2_1-.Ltmp1, $4  }
0x1a: {  	[sflag:s7] =	ssyncadd.s32 $0xFFFFBE00  }
0x1b: {  	[hbm4b:s8+s2] =	stream.linear.scatter [tilespmem:s6], [sflag:$0x2], $0x4200, $0x38;
	[tilespmem:$0x4620] =	vst v63  }
0x1c: {  	_ =	swait.ge [sflag:s3], $0x4200  }
0x1d: {  	[sflag:s3] =	ssyncset.done $0x0  }
.LBB2_2:
0x1e: {  	[sflag:s3] =	ssyncadd.s32 $0xFFFFBE00  }
0x1f: {  	_ =	sfence.sel $0x180000  }
0x20: {  	[bflag:$0x0] =	sbarrier.arrive $0xFFFF  }
0x21: {  	p0 =	sne.s32 s0, $0x0;
	_ =	strace $0x90000047  }
0x22: {  	s0 =	sadd.s32 @!p0 $0x100000, s1;
	[bflag:$0x2] =	sbarrier.arrive $0xFFFF  }
0x23: {  	[sflag:s0] =	ssyncadd.tile.s32 @!p0 $0x1;
	_ =	shalt  }
.Lfunc_end2:
_tile_overlayer_lowered:
.L_overlay_start_2:
0x24: {  	(tag) =	ssettag $0x2  }
0x25: {  	s0 =	rddreg [dreg:$0x0];
	s2 =	stileid.u32  }
0x26: {  	s1 =	rddreg [dreg:$0x1];
	p0 =	sne.s32 s2, $0x0  }
0x27: {  	s3 =	rddreg [dreg:$0x2];
	[bflag:$0x3] =	sbarrier.arrive $0xFFFF;
	s2 =	simm.s32 @!p0 $0x1C02  }
0x28: {  	[timem:s3], [sflag:s2] =	dma.local @!p0 [hbm:s0], s1  }
0x29: {  	s0 =	simm.s32 @!p0 $0x2  }
0x2a: {  	_ =	swait.ge @!p0 [sflag:s0], s1  }
0x2b: {  	s1 =	ssub.s32 @!p0 $0x0, s1;
	[sflag:s0] =	ssyncset.done @!p0 $0x0  }
0x2c: {  	[sflag:s0] =	ssyncadd.s32 @!p0 s1  }
0x2d: {  	[bflag:$0x3] =	sbarrier.arrive $0xFFFF  }
0x2e: {  	_ =	shalt  }

</sc_bundles>
